<compile_context>
chip_gen: v7x
topology: tpu7x:2x2x1
jax: 0.10.2.dev20260603
libtpu: 0.0.44.dev20260713+nightly
codegen_flags: <defaults>
</compile_context>

<pallas_src>
import jax
from jax.experimental import pallas as pl
from jax.experimental.pallas import tpu as pltpu
from jax.experimental.pallas import tpu_sc as plsc


def _rl_body(cu_hbm, out_hbm, cu_s, out_s):
    pltpu.sync_copy(cu_hbm, cu_s)
    for i in range(out_s.shape[0]):
        out_s[i] = cu_s[i + 1] - cu_s[i]
    pltpu.sync_copy(out_s, out_hbm)


def _row_lengths(cu_seqlens):
    n = cu_seqlens.shape[0] - 1
    mesh = plsc.ScalarSubcoreMesh(axis_name="c", num_cores=1)
    return pl.kernel(
        _rl_body,
        out_type=jax.ShapeDtypeStruct((n,), cu_seqlens.dtype),
        mesh=mesh,
        scratch_types=[
            pltpu.SMEM((n + 1,), cu_seqlens.dtype),
            pltpu.SMEM((n,), cu_seqlens.dtype),
        ],
    )(cu_seqlens)


def kernel(values, cu_seqlens):
    return values, _row_lengths(cu_seqlens)

# --- scband reference (transcript-rebuilt; emitter-appended) ---
"""Pipeline reference for scband-simple-symbol-features-model-2920577761737 (READ-ONLY COPY).

The authoritative reference and input builder live on the scoring server;
editing this copy changes nothing except your own understanding.
"""

import jax, jax.numpy as jnp
import numpy as np

TOTAL_TOKENS = 32768
BATCH = 16
N_FEAT = 12

def setup_inputs(seed: int = 0) -> dict:
    key = jax.random.key(seed)
    k1, k2 = jax.random.split(key)
    # Flat concatenation of per-problem symbol feature matrices (stand-in for
    # solver.symbols_of_type outputs concatenated via TensorArray.concat()).
    values = jax.random.normal(k1, (TOTAL_TOKENS, N_FEAT), dtype=jnp.float32)
    # cu_seqlens encodes the ragged row boundaries (B+1 monotone offsets).
    cu = jnp.sort(jax.random.randint(k2, (BATCH + 1,), 0, TOTAL_TOKENS, dtype=jnp.int32))
    cu = cu.at[0].set(0).at[-1].set(TOTAL_TOKENS)
    return {"values": values, "cu_seqlens": cu}

def reference(values, cu_seqlens):
    # Original module: per-problem feature matrices are written into a
    # TensorArray, concatenated into a flat value tensor, and wrapped into a
    # RaggedTensor via tf.RaggedTensor.from_row_lengths(values, row_lengths).
    # JAX has no ragged type, so the ragged tensor is represented as the pair
    # (flat_values, row_lengths). The concat is the identity on the already-flat
    # values; row_lengths are derived from the cumulative offsets.
    row_lengths = jnp.diff(cu_seqlens)
    flat_values = values  # TensorArray.concat() of per-problem embeddings
    return flat_values, row_lengths

if __name__ == "__main__":
    import jax
    _d = setup_inputs()
    print(jax.jit(kernel)(*tuple(_d.values())))

</pallas_src>

<mosaic_0001>
#map = affine_map<(d0) -> (0)>
module attributes {stable_mosaic.version = 14 : i64} {
  func.func @_rl_body(%arg0: i32, %arg1: memref<17xi32, #tpu.memory_space<hbm>>, %arg2: memref<16xi32, #tpu.memory_space<hbm>>, %arg3: memref<17xi32, #tpu.memory_space<smem>>, %arg4: memref<16xi32, #tpu.memory_space<smem>>) attributes {dimension_semantics = [#tpu.dimension_semantics<core_parallel>], iteration_bounds = array<i64: 1>, scalar_prefetch = 0 : i64, scratch_operands = 2 : i64, tpu.core_type = #tpu.core_type<sc_scalar_subcore>, window_params = [{transform_indices = #map}, {transform_indices = #map}]} {
    "tpu.region"() ({
      %run_scoped3A = tpu.sem_alloc : memref<!tpu.dma_semaphore, #tpu.memory_space<semaphore_mem>>
      tpu.enqueue_dma source(%arg1 : memref<17xi32, #tpu.memory_space<hbm>>) target(%arg3 : memref<17xi32, #tpu.memory_space<smem>>) target_semaphore(%run_scoped3A : memref<!tpu.dma_semaphore, #tpu.memory_space<semaphore_mem>>)
      tpu.wait_dma2 semaphore(%run_scoped3A : memref<!tpu.dma_semaphore, #tpu.memory_space<semaphore_mem>>) src(%arg1 : memref<17xi32, #tpu.memory_space<hbm>>) dst(%arg3 : memref<17xi32, #tpu.memory_space<smem>>)
      tpu.yield
    }) : () -> ()
    %get3A = arith.constant 1 : i32
    %get3A_0 = arith.index_cast %get3A : i32 to index
    %get3A_1 = memref.load %arg3[%get3A_0] : memref<17xi32, #tpu.memory_space<smem>>
    %get3A_2 = arith.constant 0 : i32
    %get3A_3 = arith.index_cast %get3A_2 : i32 to index
    %get3A_4 = memref.load %arg3[%get3A_3] : memref<17xi32, #tpu.memory_space<smem>>
    %sub3A = arith.subi %get3A_1, %get3A_4 : i32
    %swap3A = arith.constant 0 : i32
    %swap3A_5 = arith.index_cast %swap3A : i32 to index
    %swap3A_6 = memref.load %arg4[%swap3A_5] : memref<16xi32, #tpu.memory_space<smem>>
    memref.store %sub3A, %arg4[%swap3A_5] : memref<16xi32, #tpu.memory_space<smem>>
    %get3A_7 = arith.constant 2 : i32
    %get3A_8 = arith.index_cast %get3A_7 : i32 to index
    %get3A_9 = memref.load %arg3[%get3A_8] : memref<17xi32, #tpu.memory_space<smem>>
    %get3A_10 = arith.constant 1 : i32
    %get3A_11 = arith.index_cast %get3A_10 : i32 to index
    %get3A_12 = memref.load %arg3[%get3A_11] : memref<17xi32, #tpu.memory_space<smem>>
    %sub3A_13 = arith.subi %get3A_9, %get3A_12 : i32
    %swap3A_14 = arith.constant 1 : i32
    %swap3A_15 = arith.index_cast %swap3A_14 : i32 to index
    %swap3A_16 = memref.load %arg4[%swap3A_15] : memref<16xi32, #tpu.memory_space<smem>>
    memref.store %sub3A_13, %arg4[%swap3A_15] : memref<16xi32, #tpu.memory_space<smem>>
    %get3A_17 = arith.constant 3 : i32
    %get3A_18 = arith.index_cast %get3A_17 : i32 to index
    %get3A_19 = memref.load %arg3[%get3A_18] : memref<17xi32, #tpu.memory_space<smem>>
    %get3A_20 = arith.constant 2 : i32
    %get3A_21 = arith.index_cast %get3A_20 : i32 to index
    %get3A_22 = memref.load %arg3[%get3A_21] : memref<17xi32, #tpu.memory_space<smem>>
    %sub3A_23 = arith.subi %get3A_19, %get3A_22 : i32
    %swap3A_24 = arith.constant 2 : i32
    %swap3A_25 = arith.index_cast %swap3A_24 : i32 to index
    %swap3A_26 = memref.load %arg4[%swap3A_25] : memref<16xi32, #tpu.memory_space<smem>>
    memref.store %sub3A_23, %arg4[%swap3A_25] : memref<16xi32, #tpu.memory_space<smem>>
    %get3A_27 = arith.constant 4 : i32
    %get3A_28 = arith.index_cast %get3A_27 : i32 to index
    %get3A_29 = memref.load %arg3[%get3A_28] : memref<17xi32, #tpu.memory_space<smem>>
    %get3A_30 = arith.constant 3 : i32
    %get3A_31 = arith.index_cast %get3A_30 : i32 to index
    %get3A_32 = memref.load %arg3[%get3A_31] : memref<17xi32, #tpu.memory_space<smem>>
    %sub3A_33 = arith.subi %get3A_29, %get3A_32 : i32
    %swap3A_34 = arith.constant 3 : i32
    %swap3A_35 = arith.index_cast %swap3A_34 : i32 to index
    %swap3A_36 = memref.load %arg4[%swap3A_35] : memref<16xi32, #tpu.memory_space<smem>>
    memref.store %sub3A_33, %arg4[%swap3A_35] : memref<16xi32, #tpu.memory_space<smem>>
    %get3A_37 = arith.constant 5 : i32
    %get3A_38 = arith.index_cast %get3A_37 : i32 to index
    %get3A_39 = memref.load %arg3[%get3A_38] : memref<17xi32, #tpu.memory_space<smem>>
    %get3A_40 = arith.constant 4 : i32
    %get3A_41 = arith.index_cast %get3A_40 : i32 to index
    %get3A_42 = memref.load %arg3[%get3A_41] : memref<17xi32, #tpu.memory_space<smem>>
    %sub3A_43 = arith.subi %get3A_39, %get3A_42 : i32
    %swap3A_44 = arith.constant 4 : i32
    %swap3A_45 = arith.index_cast %swap3A_44 : i32 to index
    %swap3A_46 = memref.load %arg4[%swap3A_45] : memref<16xi32, #tpu.memory_space<smem>>
    memref.store %sub3A_43, %arg4[%swap3A_45] : memref<16xi32, #tpu.memory_space<smem>>
    %get3A_47 = arith.constant 6 : i32
    %get3A_48 = arith.index_cast %get3A_47 : i32 to index
    %get3A_49 = memref.load %arg3[%get3A_48] : memref<17xi32, #tpu.memory_space<smem>>
    %get3A_50 = arith.constant 5 : i32
    %get3A_51 = arith.index_cast %get3A_50 : i32 to index
    %get3A_52 = memref.load %arg3[%get3A_51] : memref<17xi32, #tpu.memory_space<smem>>
    %sub3A_53 = arith.subi %get3A_49, %get3A_52 : i32
    %swap3A_54 = arith.constant 5 : i32
    %swap3A_55 = arith.index_cast %swap3A_54 : i32 to index
    %swap3A_56 = memref.load %arg4[%swap3A_55] : memref<16xi32, #tpu.memory_space<smem>>
    memref.store %sub3A_53, %arg4[%swap3A_55] : memref<16xi32, #tpu.memory_space<smem>>
    %get3A_57 = arith.constant 7 : i32
    %get3A_58 = arith.index_cast %get3A_57 : i32 to index
    %get3A_59 = memref.load %arg3[%get3A_58] : memref<17xi32, #tpu.memory_space<smem>>
    %get3A_60 = arith.constant 6 : i32
    %get3A_61 = arith.index_cast %get3A_60 : i32 to index
    %get3A_62 = memref.load %arg3[%get3A_61] : memref<17xi32, #tpu.memory_space<smem>>
    %sub3A_63 = arith.subi %get3A_59, %get3A_62 : i32
    %swap3A_64 = arith.constant 6 : i32
    %swap3A_65 = arith.index_cast %swap3A_64 : i32 to index
    %swap3A_66 = memref.load %arg4[%swap3A_65] : memref<16xi32, #tpu.memory_space<smem>>
    memref.store %sub3A_63, %arg4[%swap3A_65] : memref<16xi32, #tpu.memory_space<smem>>
    %get3A_67 = arith.constant 8 : i32
    %get3A_68 = arith.index_cast %get3A_67 : i32 to index
    %get3A_69 = memref.load %arg3[%get3A_68] : memref<17xi32, #tpu.memory_space<smem>>
    %get3A_70 = arith.constant 7 : i32
    %get3A_71 = arith.index_cast %get3A_70 : i32 to index
    %get3A_72 = memref.load %arg3[%get3A_71] : memref<17xi32, #tpu.memory_space<smem>>
    %sub3A_73 = arith.subi %get3A_69, %get3A_72 : i32
    %swap3A_74 = arith.constant 7 : i32
    %swap3A_75 = arith.index_cast %swap3A_74 : i32 to index
    %swap3A_76 = memref.load %arg4[%swap3A_75] : memref<16xi32, #tpu.memory_space<smem>>
    memref.store %sub3A_73, %arg4[%swap3A_75] : memref<16xi32, #tpu.memory_space<smem>>
    %get3A_77 = arith.constant 9 : i32
    %get3A_78 = arith.index_cast %get3A_77 : i32 to index
    %get3A_79 = memref.load %arg3[%get3A_78] : memref<17xi32, #tpu.memory_space<smem>>
    %get3A_80 = arith.constant 8 : i32
    %get3A_81 = arith.index_cast %get3A_80 : i32 to index
    %get3A_82 = memref.load %arg3[%get3A_81] : memref<17xi32, #tpu.memory_space<smem>>
    %sub3A_83 = arith.subi %get3A_79, %get3A_82 : i32
    %swap3A_84 = arith.constant 8 : i32
    %swap3A_85 = arith.index_cast %swap3A_84 : i32 to index
    %swap3A_86 = memref.load %arg4[%swap3A_85] : memref<16xi32, #tpu.memory_space<smem>>
    memref.store %sub3A_83, %arg4[%swap3A_85] : memref<16xi32, #tpu.memory_space<smem>>
    %get3A_87 = arith.constant 10 : i32
    %get3A_88 = arith.index_cast %get3A_87 : i32 to index
    %get3A_89 = memref.load %arg3[%get3A_88] : memref<17xi32, #tpu.memory_space<smem>>
    %get3A_90 = arith.constant 9 : i32
    %get3A_91 = arith.index_cast %get3A_90 : i32 to index
    %get3A_92 = memref.load %arg3[%get3A_91] : memref<17xi32, #tpu.memory_space<smem>>
    %sub3A_93 = arith.subi %get3A_89, %get3A_92 : i32
    %swap3A_94 = arith.constant 9 : i32
    %swap3A_95 = arith.index_cast %swap3A_94 : i32 to index
    %swap3A_96 = memref.load %arg4[%swap3A_95] : memref<16xi32, #tpu.memory_space<smem>>
    memref.store %sub3A_93, %arg4[%swap3A_95] : memref<16xi32, #tpu.memory_space<smem>>
    %get3A_97 = arith.constant 11 : i32
    %get3A_98 = arith.index_cast %get3A_97 : i32 to index
    %get3A_99 = memref.load %arg3[%get3A_98] : memref<17xi32, #tpu.memory_space<smem>>
    %get3A_100 = arith.constant 10 : i32
    %get3A_101 = arith.index_cast %get3A_100 : i32 to index
    %get3A_102 = memref.load %arg3[%get3A_101] : memref<17xi32, #tpu.memory_space<smem>>
    %sub3A_103 = arith.subi %get3A_99, %get3A_102 : i32
    %swap3A_104 = arith.constant 10 : i32
    %swap3A_105 = arith.index_cast %swap3A_104 : i32 to index
    %swap3A_106 = memref.load %arg4[%swap3A_105] : memref<16xi32, #tpu.memory_space<smem>>
    memref.store %sub3A_103, %arg4[%swap3A_105] : memref<16xi32, #tpu.memory_space<smem>>
    %get3A_107 = arith.constant 12 : i32
    %get3A_108 = arith.index_cast %get3A_107 : i32 to index
    %get3A_109 = memref.load %arg3[%get3A_108] : memref<17xi32, #tpu.memory_space<smem>>
    %get3A_110 = arith.constant 11 : i32
    %get3A_111 = arith.index_cast %get3A_110 : i32 to index
    %get3A_112 = memref.load %arg3[%get3A_111] : memref<17xi32, #tpu.memory_space<smem>>
    %sub3A_113 = arith.subi %get3A_109, %get3A_112 : i32
    %swap3A_114 = arith.constant 11 : i32
    %swap3A_115 = arith.index_cast %swap3A_114 : i32 to index
    %swap3A_116 = memref.load %arg4[%swap3A_115] : memref<16xi32, #tpu.memory_space<smem>>
    memref.store %sub3A_113, %arg4[%swap3A_115] : memref<16xi32, #tpu.memory_space<smem>>
    %get3A_117 = arith.constant 13 : i32
    %get3A_118 = arith.index_cast %get3A_117 : i32 to index
    %get3A_119 = memref.load %arg3[%get3A_118] : memref<17xi32, #tpu.memory_space<smem>>
    %get3A_120 = arith.constant 12 : i32
    %get3A_121 = arith.index_cast %get3A_120 : i32 to index
    %get3A_122 = memref.load %arg3[%get3A_121] : memref<17xi32, #tpu.memory_space<smem>>
    %sub3A_123 = arith.subi %get3A_119, %get3A_122 : i32
    %swap3A_124 = arith.constant 12 : i32
    %swap3A_125 = arith.index_cast %swap3A_124 : i32 to index
    %swap3A_126 = memref.load %arg4[%swap3A_125] : memref<16xi32, #tpu.memory_space<smem>>
    memref.store %sub3A_123, %arg4[%swap3A_125] : memref<16xi32, #tpu.memory_space<smem>>
    %get3A_127 = arith.constant 14 : i32
    %get3A_128 = arith.index_cast %get3A_127 : i32 to index
    %get3A_129 = memref.load %arg3[%get3A_128] : memref<17xi32, #tpu.memory_space<smem>>
    %get3A_130 = arith.constant 13 : i32
    %get3A_131 = arith.index_cast %get3A_130 : i32 to index
    %get3A_132 = memref.load %arg3[%get3A_131] : memref<17xi32, #tpu.memory_space<smem>>
    %sub3A_133 = arith.subi %get3A_129, %get3A_132 : i32
    %swap3A_134 = arith.constant 13 : i32
    %swap3A_135 = arith.index_cast %swap3A_134 : i32 to index
    %swap3A_136 = memref.load %arg4[%swap3A_135] : memref<16xi32, #tpu.memory_space<smem>>
    memref.store %sub3A_133, %arg4[%swap3A_135] : memref<16xi32, #tpu.memory_space<smem>>
    %get3A_137 = arith.constant 15 : i32
    %get3A_138 = arith.index_cast %get3A_137 : i32 to index
    %get3A_139 = memref.load %arg3[%get3A_138] : memref<17xi32, #tpu.memory_space<smem>>
    %get3A_140 = arith.constant 14 : i32
    %get3A_141 = arith.index_cast %get3A_140 : i32 to index
    %get3A_142 = memref.load %arg3[%get3A_141] : memref<17xi32, #tpu.memory_space<smem>>
    %sub3A_143 = arith.subi %get3A_139, %get3A_142 : i32
    %swap3A_144 = arith.constant 14 : i32
    %swap3A_145 = arith.index_cast %swap3A_144 : i32 to index
    %swap3A_146 = memref.load %arg4[%swap3A_145] : memref<16xi32, #tpu.memory_space<smem>>
    memref.store %sub3A_143, %arg4[%swap3A_145] : memref<16xi32, #tpu.memory_space<smem>>
    %get3A_147 = arith.constant 16 : i32
    %get3A_148 = arith.index_cast %get3A_147 : i32 to index
    %get3A_149 = memref.load %arg3[%get3A_148] : memref<17xi32, #tpu.memory_space<smem>>
    %get3A_150 = arith.constant 15 : i32
    %get3A_151 = arith.index_cast %get3A_150 : i32 to index
    %get3A_152 = memref.load %arg3[%get3A_151] : memref<17xi32, #tpu.memory_space<smem>>
    %sub3A_153 = arith.subi %get3A_149, %get3A_152 : i32
    %swap3A_154 = arith.constant 15 : i32
    %swap3A_155 = arith.index_cast %swap3A_154 : i32 to index
    %swap3A_156 = memref.load %arg4[%swap3A_155] : memref<16xi32, #tpu.memory_space<smem>>
    memref.store %sub3A_153, %arg4[%swap3A_155] : memref<16xi32, #tpu.memory_space<smem>>
    "tpu.region"() ({
      %run_scoped3A = tpu.sem_alloc : memref<!tpu.dma_semaphore, #tpu.memory_space<semaphore_mem>>
      tpu.enqueue_dma source(%arg4 : memref<16xi32, #tpu.memory_space<smem>>) target(%arg2 : memref<16xi32, #tpu.memory_space<hbm>>) target_semaphore(%run_scoped3A : memref<!tpu.dma_semaphore, #tpu.memory_space<semaphore_mem>>)
      tpu.wait_dma2 semaphore(%run_scoped3A : memref<!tpu.dma_semaphore, #tpu.memory_space<semaphore_mem>>) src(%arg4 : memref<16xi32, #tpu.memory_space<smem>>) dst(%arg2 : memref<16xi32, #tpu.memory_space<hbm>>)
      tpu.yield
    }) : () -> ()
    return
  }
}

</mosaic_0001>

<sc_bundles>
// kernel: kernel.3.cloned.1.call-start
scs
__scs_entry_jumppad:
0x0: {  	(pc) =	sbr.rel $0x88, $3  }
0x1: {  	(tag) =	ssettag $0x0;
	lr =	simm.s32 $0x1  }
0x2: {  	[smem:$0x3F9F] =	sst lr;
	_ =	strace $0xD0000000  }
0x3: {  	_ = 	snop  }
0x4: {  	_ = 	snop  }
0x5: {  	_ = 	snop  }
0x6: {  	_ = 	snop  }
0x7: {  	_ = 	snop  }
__scs_overlays_trampoline_lowered:
0x8: {  	[smem:$0x3FAE] =	sst s0  }
0x9: {  	[smem:$0x3FAF] =	sst s1  }
0xa: {  	[smem:$0x3FB0] =	sst s2  }
0xb: {  	[smem:$0x3FB1] =	sst s3  }
0xc: {  	[smem:$0x3FB2] =	sst s4  }
0xd: {  	[smem:$0x3FB3] =	sst s5  }
0xe: {  	[smem:$0x3FB4] =	sst s6  }
0xf: {  	[smem:$0x3FB5] =	sst s7  }
0x10: {  	[smem:$0x3FB6] =	sst s8  }
0x11: {  	[smem:$0x3FB7] =	sst s9;
	s0 =	simm.s32 @!p0 $0x0  }
0x12: {  	s1 =	sld [smem:$0x3F9D];
	s0 =	simm.s32 @p0 $0x1  }
0x13: {  	[smem:$0x3FB8] =	sst s0;
	s0 =	simm.s32 @!p1 $0x0  }
0x14: {  	s2 =	sld [smem:$0x3F9C];
	s0 =	simm.s32 @p1 $0x1  }
0x15: {  	[smem:$0x3FB9] =	sst s0;
	s0 =	simm.s32 @!p2 $0x0  }
0x16: {  	s3 =	sld [smem:$0x3FDB];
	s0 =	simm.s32 @p2 $0x1  }
0x17: {  	s4 =	simm.s32 $0x1BF5;
	[smem:$0x3FBB] =	sst s0  }
0x18: {  	s0 =	sld [smem:$0x3F9E];
	_ =	swait.ge [sflag:s4], $0x0  }
0x19: {  	s7 =	sld [smem:$0x3F9F]  }
0x1a: {  	s8 =	sadd.s32 $0xFFFFE003, lr  }
0x1b: {  	s9 =	sadd.s32 $0xFFFFFEF7, lr;
	s5 =	simm.s32 $0xFFFFFFFF;
	p2 =	slt.u32 s8, $0xFFFFF086  }
0x1c: {  	p1 =	slt.u32 s9, $0xF7A;
	s5 =	simm.s32 @!p2 $0x0  }
0x1d: {  	s5 =	simm.s32 @p1 $0x1;
	p0 =	seq.s32 s7, s2  }
0x1e: {  	s7 =	smul.u32 @!p0 $0xF7A, s2;
	p2 =	seq.s32 @!p0 s5, $0x0  }
0x1f: {  	s9 =	smul.u32 $0xF7A, s1;
	s8 =	simm.s32 @!p0 $0x1BF5;
	p2 =	por !p2, p0  }
0x20: {  	[sflag:s8] =	ssyncset.s32 @!p0 $0xFFFFF086;
	s6 =	sadd.s32 @!p0 s3, s7;
	s7 =	simm.s32 @!p0 $0x108  }
0x21: {  	s3 =	sadd.s32 s3, s9;
	s6 =	sadd.s32 @!p0 $0x88, s6;
	s7 =	simm.s32 @p2 $0x1082  }
0x22: {  	[simem:s7], [sflag:s8] =	dma.local @!p0 [hbm:s6], $0xF7A  }
0x23: {  	s9 =	sor.u32 $0xD0000000, s2;
	s6 =	simm.s32 $0x108;
	_ =	swait.ge @!p0 [sflag:s8], $0x0  }
0x24: {  	s3 =	sadd.s32 $0x88, s3;
	s6 =	simm.s32 @!p1 $0x1082;
	[sflag:s4] =	ssyncset.s32 $0xFFFFF086  }
0x25: {  	[simem:s6], [sflag:s4] =	dma.local [hbm:s3], $0xF7A  }
0x26: {  	[smem:$0x3F9F] =	sst s1;
	(tag) =	ssettag s2;
	_ =	strace s9  }
0x27: {  	s1 =	sld [smem:$0x3FAF]  }
0x28: {  	s2 =	sld [smem:$0x3FB0]  }
0x29: {  	s4 =	sld [smem:$0x3FB2]  }
0x2a: {  	p0 =	seq.s32 s5, $0x0;
	s5 =	sld [smem:$0x3FB3]  }
0x2b: {  	s6 =	sld [smem:$0x3FB4]  }
0x2c: {  	s7 =	sld [smem:$0x3FB5]  }
0x2d: {  	s3 =	simm.s32 $0x108;
	s8 =	sld [smem:$0x3FB6]  }
0x2e: {  	s3 =	simm.s32 @!p0 $0x1082;
	s9 =	sld [smem:$0x3FB7]  }
0x2f: {  	lr =	sadd.s32 s0, s3;
	s0 =	sld [smem:$0x3FAE]  }
0x30: {  	s3 =	sld [smem:$0x3FB1]  }
0x31: {  	[smem:$0x3FBA] =	sst s10  }
0x32: {  	s10 =	sld [smem:$0x3FB8];
	_ =	sdelay $0x3  }
0x33: {  	p0 =	seq.s32 s10, $0x1;
	s10 =	sld [smem:$0x3FBA];
	_ =	sdelay $0x3  }
0x34: {  	[smem:$0x3FBA] =	sst s10  }
0x35: {  	s10 =	sld [smem:$0x3FB9];
	_ =	sdelay $0x3  }
0x36: {  	p1 =	seq.s32 s10, $0x1;
	s10 =	sld [smem:$0x3FBA];
	_ =	sdelay $0x3  }
0x37: {  	[smem:$0x3FBA] =	sst s10  }
0x38: {  	s10 =	sld [smem:$0x3FBB]  }
0x39: {  	_ = 	snop;
	(pc) =	sbr.ind lr, $3  }
0x3a: {  	_ = 	snop  }
0x3b: {  	_ = 	snop  }
0x3c: {  	p2 =	seq.s32 s10, $0x1;
	s10 =	sld [smem:$0x3FBA]  }
0x3d: {  	_ =	shalt  }
0x3e: {  	_ =	shalt  }
0x3f: {  	_ =	shalt  }
0x40: {  	_ =	shalt  }
0x41: {  	_ =	shalt  }
0x42: {  	_ =	shalt  }
0x43: {  	_ =	shalt  }
0x44: {  	_ =	shalt  }
0x45: {  	_ =	shalt  }
0x46: {  	_ =	shalt  }
0x47: {  	_ =	shalt  }
0x48: {  	_ =	shalt  }
0x49: {  	_ =	shalt  }
0x4a: {  	_ =	shalt  }
0x4b: {  	_ =	shalt  }
0x4c: {  	_ =	shalt  }
0x4d: {  	_ =	shalt  }
0x4e: {  	_ =	shalt  }
0x4f: {  	_ =	shalt  }
0x50: {  	_ =	shalt  }
0x51: {  	_ =	shalt  }
0x52: {  	_ =	shalt  }
0x53: {  	_ =	shalt  }
0x54: {  	_ =	shalt  }
0x55: {  	_ =	shalt  }
0x56: {  	_ =	shalt  }
0x57: {  	_ =	shalt  }
0x58: {  	_ =	shalt  }
0x59: {  	_ =	shalt  }
0x5a: {  	_ =	shalt  }
0x5b: {  	_ =	shalt  }
0x5c: {  	_ =	shalt  }
0x5d: {  	_ =	shalt  }
0x5e: {  	_ =	shalt  }
0x5f: {  	_ =	shalt  }
0x60: {  	_ =	shalt  }
0x61: {  	_ =	shalt  }
0x62: {  	_ =	shalt  }
0x63: {  	_ =	shalt  }
0x64: {  	_ =	shalt  }
0x65: {  	_ =	shalt  }
0x66: {  	_ =	shalt  }
0x67: {  	_ =	shalt  }
0x68: {  	_ =	shalt  }
0x69: {  	_ =	shalt  }
0x6a: {  	_ =	shalt  }
0x6b: {  	_ =	shalt  }
0x6c: {  	_ =	shalt  }
0x6d: {  	_ =	shalt  }
0x6e: {  	_ =	shalt  }
0x6f: {  	_ =	shalt  }
0x70: {  	_ =	shalt  }
0x71: {  	_ =	shalt  }
0x72: {  	_ =	shalt  }
0x73: {  	_ =	shalt  }
0x74: {  	_ =	shalt  }
0x75: {  	_ =	shalt  }
0x76: {  	_ =	shalt  }
0x77: {  	_ =	shalt  }
0x78: {  	_ =	shalt  }
0x79: {  	_ =	shalt  }
0x7a: {  	_ =	shalt  }
0x7b: {  	_ =	shalt  }
0x7c: {  	_ =	shalt  }
0x7d: {  	_ =	shalt  }
0x7e: {  	_ =	shalt  }
0x7f: {  	_ =	shalt  }
0x80: {  	_ =	shalt  }
0x81: {  	_ =	shalt  }
0x82: {  	_ =	shalt  }
0x83: {  	_ =	shalt  }
0x84: {  	_ =	shalt  }
0x85: {  	_ =	shalt  }
0x86: {  	_ =	shalt  }
0x87: {  	_ =	shalt  }
.Lfunc_end0:
.L_simem_size_0:
called_computation_lowered:
.L_overlay_start_0:
0x88: {  	s0 =	sld [smem:$0x3FD9]  }
0x89: {  	s1 =	sld [smem:$0x3FFE];
	_ =	sdelay $0x3  }
0x8a: {  	s0 =	sadd.s32 s1, s0  }
0x8b: {  	[smem:$0x3FC6] =	sst s0  }
0x8c: {  	_ = 	snop  }
0x8d: {  	s0 =	sld [smem:$0x3FD0];
	_ =	sdelay $0x2  }
0x8e: {  	s30 =	simm.s32 $0xA;
	s3 =	simm.s32 $0x110;
	s2 =	sld [smem:$0x3FC8]  }
0x8f: {  	[smem:s3], [sflag:s30] =	dma.local [hbm:s0], $0x1  }
0x90: {  	_ =	swait.eq [sflag:s30], $0x1  }
0x91: {  	[sflag:s30] =	ssyncset.done $0x0  }
0x92: {  	[sflag:s30] =	ssyncadd.s32 $0xFFFFFFFF  }
0x93: {  	s31 =	sld [smem:$0x111];
	(tm) =	ssettm $0x1  }
0x94: {  	s4 =	sld [smem:$0x3FFB];
	_ =	sdelay $0x3  }
0x95: {  	_ =	strace s4  }
0x96: {  	s1 =	sld [smem:$0x3FFC];
	_ =	sdelay $0x3  }
0x97: {  	_ =	strace s1  }
0x98: {  	s1 =	sld [smem:$0x3FFD];
	_ =	sdelay $0x3  }
0x99: {  	_ =	strace s1  }
0x9a: {  	s5 =	simm.s32 $0x1B8B;
	_ =	strace $0x8FFFFFFF  }
0x9b: {  	_ =	swait.ge [sflag:s5], $0x1  }
0x9c: {  	[sflag:s5] =	ssyncset.done $0x0  }
0x9d: {  	s6 =	simm.s32 $0x1B8E;
	[sflag:s5] =	ssyncadd.s32 $0xFFFFFFFF  }
0x9e: {  	[smem:$0x3FD2] =	sst s6  }
0x9f: {  	s7 =	simm.s32 $0x9;
	s8 =	simm.s32 $0x10;
	_ =	strace $0x80000046  }
0xa0: {  	[smem:s8], [sflag:s7] =	dma.local [hbm:s2], $0x10  }
0xa1: {  	_ =	swait.ge [sflag:s7], $0x10  }
0xa2: {  	[sflag:s7] =	ssyncset.done $0x0  }
0xa3: {  	[sflag:s7] =	ssyncadd.s32 $0xFFFFFFF0  }
0xa4: {  	s9 =	sld [smem:$0x11]  }
0xa5: {  	s10 =	sld [smem:$0x10];
	_ =	sdelay $0x3  }
0xa6: {  	s2 =	ssub.s32 s9, s10  }
0xa7: {  	[smem:$0x90] =	sst s2  }
0xa8: {  	s2 =	sld [smem:$0x12]  }
0xa9: {  	s11 =	sld [smem:$0x11];
	_ =	sdelay $0x3  }
0xaa: {  	s2 =	ssub.s32 s2, s11  }
0xab: {  	[smem:$0x91] =	sst s2  }
0xac: {  	s2 =	sld [smem:$0x13]  }
0xad: {  	s12 =	sld [smem:$0x12];
	_ =	sdelay $0x3  }
0xae: {  	s2 =	ssub.s32 s2, s12  }
0xaf: {  	[smem:$0x92] =	sst s2  }
0xb0: {  	s2 =	sld [smem:$0x14]  }
0xb1: {  	s13 =	sld [smem:$0x13];
	_ =	sdelay $0x3  }
0xb2: {  	s2 =	ssub.s32 s2, s13  }
0xb3: {  	[smem:$0x93] =	sst s2  }
0xb4: {  	s2 =	sld [smem:$0x15]  }
0xb5: {  	s14 =	sld [smem:$0x14];
	_ =	sdelay $0x3  }
0xb6: {  	s2 =	ssub.s32 s2, s14  }
0xb7: {  	[smem:$0x94] =	sst s2  }
0xb8: {  	s2 =	sld [smem:$0x16]  }
0xb9: {  	s15 =	sld [smem:$0x15];
	_ =	sdelay $0x3  }
0xba: {  	s2 =	ssub.s32 s2, s15  }
0xbb: {  	[smem:$0x95] =	sst s2  }
0xbc: {  	s2 =	sld [smem:$0x17]  }
0xbd: {  	s16 =	sld [smem:$0x16];
	_ =	sdelay $0x3  }
0xbe: {  	s2 =	ssub.s32 s2, s16  }
0xbf: {  	[smem:$0x96] =	sst s2  }
0xc0: {  	s2 =	sld [smem:$0x18]  }
0xc1: {  	s17 =	sld [smem:$0x17];
	_ =	sdelay $0x3  }
0xc2: {  	s2 =	ssub.s32 s2, s17  }
0xc3: {  	[smem:$0x97] =	sst s2  }
0xc4: {  	s2 =	sld [smem:$0x19]  }
0xc5: {  	s18 =	sld [smem:$0x18];
	_ =	sdelay $0x3  }
0xc6: {  	s2 =	ssub.s32 s2, s18  }
0xc7: {  	[smem:$0x98] =	sst s2  }
0xc8: {  	s2 =	sld [smem:$0x1A]  }
0xc9: {  	s19 =	sld [smem:$0x19];
	_ =	sdelay $0x3  }
0xca: {  	s2 =	ssub.s32 s2, s19  }
0xcb: {  	[smem:$0x99] =	sst s2  }
0xcc: {  	s2 =	sld [smem:$0x1B]  }
0xcd: {  	s20 =	sld [smem:$0x1A];
	_ =	sdelay $0x3  }
0xce: {  	s2 =	ssub.s32 s2, s20  }
0xcf: {  	[smem:$0x9A] =	sst s2  }
0xd0: {  	s2 =	sld [smem:$0x1C]  }
0xd1: {  	s21 =	sld [smem:$0x1B];
	_ =	sdelay $0x3  }
0xd2: {  	s2 =	ssub.s32 s2, s21  }
0xd3: {  	[smem:$0x9B] =	sst s2  }
0xd4: {  	s2 =	sld [smem:$0x1D]  }
0xd5: {  	s22 =	sld [smem:$0x1C];
	_ =	sdelay $0x3  }
0xd6: {  	s2 =	ssub.s32 s2, s22  }
0xd7: {  	[smem:$0x9C] =	sst s2  }
0xd8: {  	s2 =	sld [smem:$0x1E]  }
0xd9: {  	s23 =	sld [smem:$0x1D];
	_ =	sdelay $0x3  }
0xda: {  	s2 =	ssub.s32 s2, s23  }
0xdb: {  	[smem:$0x9D] =	sst s2  }
0xdc: {  	s2 =	sld [smem:$0x1F]  }
0xdd: {  	s24 =	sld [smem:$0x1E];
	_ =	sdelay $0x3  }
0xde: {  	s2 =	ssub.s32 s2, s24  }
0xdf: {  	[smem:$0x9E] =	sst s2  }
0xe0: {  	s2 =	sld [smem:$0x20]  }
0xe1: {  	s25 =	sld [smem:$0x1F];
	_ =	sdelay $0x3  }
0xe2: {  	s2 =	ssub.s32 s2, s25  }
0xe3: {  	s26 =	simm.s32 $0x90;
	[smem:$0x9F] =	sst s2  }
0xe4: {  	[hbm:s31], [sflag:s7] =	dma.local [smem:s26], $0x10  }
0xe5: {  	_ =	swait.ge [sflag:s7], $0x10  }
0xe6: {  	[sflag:s7] =	ssyncset.done $0x0  }
0xe7: {  	[sflag:s7] =	ssyncadd.s32 $0xFFFFFFF0  }
0xe8: {  	_ =	strace $0x90000046  }
0xe9: {  	_ =	sfence  }
0xea: {  	s28 =	sld [smem:$0x0];
	_ =	sdelay $0x1  }
0xeb: {  	s29 =	srdreg.scid  }
0xec: {  	s30 =	sshll.u32 s29, $0xD;
	s31 =	sshrl.u32 s29, $0x2  }
0xed: {  	s1 =	sand.u32 $0x1, s29;
	s2 =	sand.u32 $0x4000, s30;
	s0 =	sadd.s32 s31, s28  }
0xee: {  	s1 =	sor.u32 s2, s1;
	s0 =	sshll.u32 s0, $0x11  }
0xef: {  	s0 =	sor.u32 s0, s1  }
0xf0: {  	s0 =	sadd.s32 $0x8F2B, s0;
	(pc) =	sbr.abs _section_cstart, $3  }
0xf1: {  	[sflag:s0] =	ssyncadd.remote.s32 $0x1  }
0xf2: {  	_ =	strace $0x9FFFFFFF  }
0xf3: {  	(tm) =	ssettm $0x7FFFFFFF  }

</sc_bundles>
